<compile_context>
chip_gen: v7x
topology: tpu7x:2x2x1
jax: 0.10.2.dev20260603
libtpu: 0.0.44.dev20260713+nightly
codegen_flags: <defaults>
</compile_context>

<pallas_src>
import jax
import jax.numpy as jnp
from jax.experimental import pallas as pl
from jax.experimental.pallas import tpu as pltpu

_D_EMB = 256
_D_HID = 512

_TOK_BLOCK = 8192


def _prep_kernel(p_ref, c_ref, r_ref, w1_ref, b1_ref, w2_ref, hi_ref, w2b_ref):
    f32 = jnp.float32
    third = b1_ref[...] * (1.0 / 3.0)
    tf = jnp.concatenate(
        [
            jnp.dot(p_ref[...], w1_ref[0:_D_EMB, :], preferred_element_type=f32) + third,
            jnp.dot(c_ref[...], w1_ref[_D_EMB:2 * _D_EMB, :], preferred_element_type=f32) + third,
            jnp.dot(r_ref[...], w1_ref[2 * _D_EMB:3 * _D_EMB, :], preferred_element_type=f32) + third,
        ],
        axis=0,
    )
    hi_ref[...] = tf.astype(jnp.bfloat16)
    w2b_ref[...] = w2_ref[...].astype(jnp.bfloat16)


def _main_kernel(idx_ref, hi_ref, w2_ref, b2_ref, o_ref):
    t = idx_ref.shape[2]
    bf16 = jnp.bfloat16
    row = idx_ref[0, 0, :]
    pcol = (row & 255).astype(bf16).reshape(t, 1)
    ccol = ((row >> 8) & 255).astype(bf16).reshape(t, 1)
    rcol = ((row >> 16) & 255).astype(bf16).reshape(t, 1)
    lane = jax.lax.broadcasted_iota(jnp.int32, (t, _D_EMB), 1).astype(bf16)
    one = jnp.full((t, _D_EMB), 1, dtype=bf16)
    zero = jnp.zeros((t, _D_EMB), dtype=bf16)
    oh = jnp.concatenate(
        [
            jnp.where(pcol == lane, one, zero),
            jnp.where(ccol == lane, one, zero),
            jnp.where(rcol == lane, one, zero),
        ],
        axis=1,
    )
    f32 = jnp.float32
    h = jnp.dot(oh, hi_ref[...], preferred_element_type=jnp.float32).astype(bf16)
    g = (bf16(0.5) * h) * (bf16(1.0) + jax.lax.erf(h * bf16(0.7071067811865476)))
    o_ref[...] = (
        jnp.dot(g[:, 0:256], w2_ref[0:256, :], preferred_element_type=f32)
        + jnp.dot(g[:, 256:512], w2_ref[256:512, :], preferred_element_type=f32)
        + b2_ref[...]
    )


def kernel(p_idx, c_idx, r_idx, prosody_table, content_table, residual_table, W1, b1, W2, b2):
    B, L = p_idx.shape
    n = B * L
    d_out = W2.shape[1]
    f32 = jnp.float32

    hi, w2b = pl.pallas_call(
        _prep_kernel,
        out_shape=(
            jax.ShapeDtypeStruct((3 * _D_EMB, _D_HID), jnp.bfloat16),
            jax.ShapeDtypeStruct((_D_HID, d_out), jnp.bfloat16),
        ),
    )(prosody_table, content_table, residual_table, W1, b1.reshape(1, _D_HID), W2)

    packed = p_idx | (c_idx << 8) | (r_idx << 16)

    t = _TOK_BLOCK
    while n % t:
        t //= 2
    g = n // t
    full = lambda shape: pl.BlockSpec(shape, lambda i: (0,) * len(shape))

    out = pl.pallas_call(
        _main_kernel,
        grid=(g,),
        in_specs=[
            pl.BlockSpec((1, 1, t), lambda i: (i, 0, 0)),
            full((3 * _D_EMB, _D_HID)),
            full((_D_HID, d_out)),
            full((1, d_out)),
        ],
        out_specs=pl.BlockSpec((t, d_out), lambda i: (i, 0)),
        out_shape=jax.ShapeDtypeStruct((n, d_out), f32),
        compiler_params=pltpu.CompilerParams(
            dimension_semantics=("parallel",),
        ),
    )(
        packed.reshape(g, 1, t),
        hi,
        w2b,
        b2.reshape(1, d_out),
    )
    return out.reshape(B, L, d_out)

# --- scband reference (transcript-rebuilt; emitter-appended) ---
"""Pipeline reference for scband-token-to-mel-57097295233195 (READ-ONLY COPY).

The authoritative reference and input builder live on the scoring server;
editing this copy changes nothing except your own understanding.
"""

import jax, jax.numpy as jnp
import numpy as np

B, L = 4096, 200
NUM_CLASSES = 256
D_EMB = 256
D_HID = 512
D_OUT = 80

def setup_inputs(seed: int = 0) -> dict:
    key = jax.random.key(seed)
    ks = jax.random.split(key, 10)
    p_idx = jax.random.randint(ks[0], (B, L), 0, NUM_CLASSES)
    c_idx = jax.random.randint(ks[1], (B, L), 0, NUM_CLASSES)
    r_idx = jax.random.randint(ks[2], (B, L), 0, NUM_CLASSES)
    prosody_table = jax.random.normal(ks[3], (NUM_CLASSES, D_EMB), dtype=jnp.float32)
    content_table = jax.random.normal(ks[4], (NUM_CLASSES, D_EMB), dtype=jnp.float32)
    residual_table = jax.random.normal(ks[5], (NUM_CLASSES, D_EMB), dtype=jnp.float32)
    W1 = jax.random.normal(ks[6], (D_EMB * 3, D_HID), dtype=jnp.float32) * 0.02
    b1 = jnp.zeros((D_HID,), dtype=jnp.float32)
    W2 = jax.random.normal(ks[7], (D_HID, D_OUT), dtype=jnp.float32) * 0.02
    b2 = jnp.zeros((D_OUT,), dtype=jnp.float32)
    return {"p_idx": p_idx, "c_idx": c_idx, "r_idx": r_idx,
            "prosody_table": prosody_table, "content_table": content_table,
            "residual_table": residual_table, "W1": W1, "b1": b1, "W2": W2, "b2": b2}

def reference(p_idx, c_idx, r_idx, prosody_table, content_table, residual_table, W1, b1, W2, b2):
    p_vec = jnp.take(prosody_table, p_idx, axis=0)
    c_vec = jnp.take(content_table, c_idx, axis=0)
    r_vec = jnp.take(residual_table, r_idx, axis=0)
    x = jnp.concatenate([p_vec, c_vec, r_vec], axis=-1)
    h = jax.nn.gelu(x @ W1 + b1, approximate=False)
    return h @ W2 + b2

if __name__ == "__main__":
    import jax
    _d = setup_inputs()
    print(jax.jit(kernel)(*tuple(_d.values())))

</pallas_src>

<mosaic_0001>
module attributes {stable_mosaic.version = 14 : i64} {
  func.func @_prep_kernel(%arg0: memref<256x256xf32, #tpu.memory_space<vmem>>, %arg1: memref<256x256xf32, #tpu.memory_space<vmem>>, %arg2: memref<256x256xf32, #tpu.memory_space<vmem>>, %arg3: memref<768x512xf32, #tpu.memory_space<vmem>>, %arg4: memref<1x512xf32, #tpu.memory_space<vmem>>, %arg5: memref<512x80xf32, #tpu.memory_space<vmem>>, %arg6: memref<768x512xbf16, #tpu.memory_space<vmem>>, %arg7: memref<512x80xbf16, #tpu.memory_space<vmem>>) attributes {dimension_semantics = [], scalar_prefetch = 0 : i64, scratch_operands = 0 : i64, tpu.core_type = #tpu.core_type<tc>} {
    %get3A = arith.constant 0 : index
    %get3A_0 = arith.constant 0 : index
    %get3A_1 = vector.load %arg4[%get3A, %get3A_0] : memref<1x512xf32, #tpu.memory_space<vmem>>, vector<1x512xf32>
    %mul3A = arith.constant 0.333333343 : f32
    %mul3A_2 = vector.broadcast %mul3A : f32 to vector<1x512xf32>
    %mul3A_3 = arith.mulf %get3A_1, %mul3A_2 : vector<1x512xf32>
    %get3A_4 = arith.constant 0 : index
    %get3A_5 = arith.constant 0 : index
    %get3A_6 = vector.load %arg0[%get3A_4, %get3A_5] : memref<256x256xf32, #tpu.memory_space<vmem>>, vector<256x256xf32>
    %get3A_7 = arith.constant 0 : index
    %get3A_8 = arith.constant 0 : index
    %get3A_9 = vector.load %arg3[%get3A_7, %get3A_8] : memref<768x512xf32, #tpu.memory_space<vmem>>, vector<256x512xf32>
    %dot_general3A = arith.constant dense<0.000000e+00> : vector<256x512xf32>
    %dot_general3A_10 = tpu.matmul %get3A_6, %get3A_9, %dot_general3A {dimension_numbers = #tpu.dot_dimension_numbers<[1], [0], [0], [1], [0, 0, 1, 1], [], []>, transpose_lhs_hint = false} : vector<256x256xf32>, vector<256x512xf32>, vector<256x512xf32> -> vector<256x512xf32>
    %add3A = vector.broadcast %mul3A_3 : vector<1x512xf32> to vector<256x512xf32>
    %add3A_11 = arith.addf %dot_general3A_10, %add3A : vector<256x512xf32>
    %get3A_12 = arith.constant 0 : index
    %get3A_13 = arith.constant 0 : index
    %get3A_14 = vector.load %arg1[%get3A_12, %get3A_13] : memref<256x256xf32, #tpu.memory_space<vmem>>, vector<256x256xf32>
    %get3A_15 = arith.constant 256 : index
    %get3A_16 = arith.constant 0 : index
    %get3A_17 = vector.load %arg3[%get3A_15, %get3A_16] : memref<768x512xf32, #tpu.memory_space<vmem>>, vector<256x512xf32>
    %dot_general3A_18 = arith.constant dense<0.000000e+00> : vector<256x512xf32>
    %dot_general3A_19 = tpu.matmul %get3A_14, %get3A_17, %dot_general3A_18 {dimension_numbers = #tpu.dot_dimension_numbers<[1], [0], [0], [1], [0, 0, 1, 1], [], []>, transpose_lhs_hint = false} : vector<256x256xf32>, vector<256x512xf32>, vector<256x512xf32> -> vector<256x512xf32>
    %add3A_20 = vector.broadcast %mul3A_3 : vector<1x512xf32> to vector<256x512xf32>
    %add3A_21 = arith.addf %dot_general3A_19, %add3A_20 : vector<256x512xf32>
    %get3A_22 = arith.constant 0 : index
    %get3A_23 = arith.constant 0 : index
    %get3A_24 = vector.load %arg2[%get3A_22, %get3A_23] : memref<256x256xf32, #tpu.memory_space<vmem>>, vector<256x256xf32>
    %get3A_25 = arith.constant 512 : index
    %get3A_26 = arith.constant 0 : index
    %get3A_27 = vector.load %arg3[%get3A_25, %get3A_26] : memref<768x512xf32, #tpu.memory_space<vmem>>, vector<256x512xf32>
    %dot_general3A_28 = arith.constant dense<0.000000e+00> : vector<256x512xf32>
    %dot_general3A_29 = tpu.matmul %get3A_24, %get3A_27, %dot_general3A_28 {dimension_numbers = #tpu.dot_dimension_numbers<[1], [0], [0], [1], [0, 0, 1, 1], [], []>, transpose_lhs_hint = false} : vector<256x256xf32>, vector<256x512xf32>, vector<256x512xf32> -> vector<256x512xf32>
    %add3A_30 = vector.broadcast %mul3A_3 : vector<1x512xf32> to vector<256x512xf32>
    %add3A_31 = arith.addf %dot_general3A_29, %add3A_30 : vector<256x512xf32>
    %concatenate3A = tpu.concatenate %add3A_11, %add3A_21, %add3A_31 in 0 : vector<256x512xf32>, vector<256x512xf32>, vector<256x512xf32> -> vector<768x512xf32>
    %convert_element_type3A = arith.truncf %concatenate3A : vector<768x512xf32> to vector<768x512xbf16>
    %swap3A = arith.constant 0 : index
    %swap3A_32 = arith.constant 0 : index
    %swap3A_33 = vector.load %arg6[%swap3A, %swap3A_32] : memref<768x512xbf16, #tpu.memory_space<vmem>>, vector<768x512xbf16>
    tpu.vector_store %arg6[%swap3A, %swap3A_32], %convert_element_type3A {strides = array<i32>} : memref<768x512xbf16, #tpu.memory_space<vmem>>, vector<768x512xbf16>,
    %get3A_34 = arith.constant 0 : index
    %get3A_35 = arith.constant 0 : index
    %get3A_36 = vector.load %arg5[%get3A_34, %get3A_35] : memref<512x80xf32, #tpu.memory_space<vmem>>, vector<512x80xf32>
    %convert_element_type3A_37 = arith.truncf %get3A_36 : vector<512x80xf32> to vector<512x80xbf16>
    %swap3A_38 = arith.constant 0 : index
    %swap3A_39 = arith.constant 0 : index
    %swap3A_40 = vector.load %arg7[%swap3A_38, %swap3A_39] : memref<512x80xbf16, #tpu.memory_space<vmem>>, vector<512x80xbf16>
    tpu.vector_store %arg7[%swap3A_38, %swap3A_39], %convert_element_type3A_37 {strides = array<i32>} : memref<512x80xbf16, #tpu.memory_space<vmem>>, vector<512x80xbf16>,
    return
  }
}

module attributes {stable_mosaic.version = 14 : i64} {
  func.func @_main_kernel(%arg0: i32, %arg1: memref<1x1x8192xi32, #tpu.memory_space<vmem>>, %arg2: memref<768x512xbf16, #tpu.memory_space<vmem>>, %arg3: memref<512x80xbf16, #tpu.memory_space<vmem>>, %arg4: memref<1x80xf32, #tpu.memory_space<vmem>>, %arg5: memref<8192x80xf32, #tpu.memory_space<vmem>>) attributes {dimension_semantics = [#tpu.dimension_semantics<parallel>], iteration_bounds = array<i64: 100>, scalar_prefetch = 0 : i64, scratch_operands = 0 : i64, tpu.core_type = #tpu.core_type<tc>, window_params = [{transform_indices = @transform_0, window_bounds = array<i64: 1, 1, 8192>}, {pipeline_mode = #tpu.pipeline_mode<synchronous>, transform_indices = @transform_1, window_bounds = array<i64: 768, 512>}, {pipeline_mode = #tpu.pipeline_mode<synchronous>, transform_indices = @transform_2, window_bounds = array<i64: 512, 80>}, {pipeline_mode = #tpu.pipeline_mode<synchronous>, transform_indices = @transform_3, window_bounds = array<i64: 1, 80>}, {transform_indices = @transform_4, window_bounds = array<i64: 8192, 80>}]} {
    %get3A = arith.constant 0 : index
    %get3A_0 = arith.constant 0 : index
    %get3A_1 = arith.constant 0 : index
    %get3A_2 = vector.load %arg1[%get3A, %get3A_0, %get3A_1] : memref<1x1x8192xi32, #tpu.memory_space<vmem>>, vector<1x1x8192xi32>
    %get3A_3 = vector.shape_cast %get3A_2 : vector<1x1x8192xi32> to vector<8192xi32>
    %and3A = arith.constant 255 : i32
    %and3A_4 = vector.broadcast %and3A : i32 to vector<8192xi32>
    %and3A_5 = arith.andi %get3A_3, %and3A_4 : vector<8192xi32>
    %convert_element_type3A = arith.sitofp %and3A_5 : vector<8192xi32> to vector<8192xbf16>
    %reshape3A = vector.shape_cast %convert_element_type3A : vector<8192xbf16> to vector<8192x1xbf16>
    %shift_right_arithmetic3A = arith.constant 8 : i32
    %shift_right_arithmetic3A_6 = vector.broadcast %shift_right_arithmetic3A : i32 to vector<8192xi32>
    %shift_right_arithmetic3A_7 = arith.shrsi %get3A_3, %shift_right_arithmetic3A_6 : vector<8192xi32>
    %and3A_8 = arith.constant 255 : i32
    %and3A_9 = vector.broadcast %and3A_8 : i32 to vector<8192xi32>
    %and3A_10 = arith.andi %shift_right_arithmetic3A_7, %and3A_9 : vector<8192xi32>
    %convert_element_type3A_11 = arith.sitofp %and3A_10 : vector<8192xi32> to vector<8192xbf16>
    %reshape3A_12 = vector.shape_cast %convert_element_type3A_11 : vector<8192xbf16> to vector<8192x1xbf16>
    %shift_right_arithmetic3A_13 = arith.constant 16 : i32
    %shift_right_arithmetic3A_14 = vector.broadcast %shift_right_arithmetic3A_13 : i32 to vector<8192xi32>
    %shift_right_arithmetic3A_15 = arith.shrsi %get3A_3, %shift_right_arithmetic3A_14 : vector<8192xi32>
    %and3A_16 = arith.constant 255 : i32
    %and3A_17 = vector.broadcast %and3A_16 : i32 to vector<8192xi32>
    %and3A_18 = arith.andi %shift_right_arithmetic3A_15, %and3A_17 : vector<8192xi32>
    %convert_element_type3A_19 = arith.sitofp %and3A_18 : vector<8192xi32> to vector<8192xbf16>
    %reshape3A_20 = vector.shape_cast %convert_element_type3A_19 : vector<8192xbf16> to vector<8192x1xbf16>
    %iota3A = tpu.iota {dimensions = array<i32: 1>} : vector<8192x256xi32>
    %convert_element_type3A_21 = arith.sitofp %iota3A : vector<8192x256xi32> to vector<8192x256xbf16>
    %broadcast_in_dim3A = arith.constant 1.000000e+00 : bf16
    %broadcast_in_dim3A_22 = vector.broadcast %broadcast_in_dim3A : bf16 to vector<8192x256xbf16>
    %broadcast_in_dim3A_23 = arith.constant 0.000000e+00 : bf16
    %broadcast_in_dim3A_24 = vector.broadcast %broadcast_in_dim3A_23 : bf16 to vector<8192x256xbf16>
    %eq3A = vector.broadcast %reshape3A : vector<8192x1xbf16> to vector<8192x256xbf16>
    %eq3A_25 = arith.cmpf oeq, %eq3A, %convert_element_type3A_21 : vector<8192x256xbf16>
    %select_n3A = arith.select %eq3A_25, %broadcast_in_dim3A_22, %broadcast_in_dim3A_24 : vector<8192x256xi1>, vector<8192x256xbf16>
    %eq3A_26 = vector.broadcast %reshape3A_12 : vector<8192x1xbf16> to vector<8192x256xbf16>
    %eq3A_27 = arith.cmpf oeq, %eq3A_26, %convert_element_type3A_21 : vector<8192x256xbf16>
    %select_n3A_28 = arith.select %eq3A_27, %broadcast_in_dim3A_22, %broadcast_in_dim3A_24 : vector<8192x256xi1>, vector<8192x256xbf16>
    %eq3A_29 = vector.broadcast %reshape3A_20 : vector<8192x1xbf16> to vector<8192x256xbf16>
    %eq3A_30 = arith.cmpf oeq, %eq3A_29, %convert_element_type3A_21 : vector<8192x256xbf16>
    %select_n3A_31 = arith.select %eq3A_30, %broadcast_in_dim3A_22, %broadcast_in_dim3A_24 : vector<8192x256xi1>, vector<8192x256xbf16>
    %concatenate3A = tpu.concatenate %select_n3A, %select_n3A_28, %select_n3A_31 in 1 : vector<8192x256xbf16>, vector<8192x256xbf16>, vector<8192x256xbf16> -> vector<8192x768xbf16>
    %get3A_32 = arith.constant 0 : index
    %get3A_33 = arith.constant 0 : index
    %get3A_34 = vector.load %arg2[%get3A_32, %get3A_33] : memref<768x512xbf16, #tpu.memory_space<vmem>>, vector<768x512xbf16>
    %dot_general3A = arith.constant dense<0.000000e+00> : vector<8192x512xf32>
    %dot_general3A_35 = tpu.matmul %concatenate3A, %get3A_34, %dot_general3A {dimension_numbers = #tpu.dot_dimension_numbers<[1], [0], [0], [1], [0, 0, 1, 1], [], []>, transpose_lhs_hint = false} : vector<8192x768xbf16>, vector<768x512xbf16>, vector<8192x512xf32> -> vector<8192x512xf32>
    %convert_element_type3A_36 = arith.truncf %dot_general3A_35 : vector<8192x512xf32> to vector<8192x512xbf16>
    %mul3A = arith.constant 5.000000e-01 : bf16
    %mul3A_37 = vector.broadcast %mul3A : bf16 to vector<8192x512xbf16>
    %mul3A_38 = arith.mulf %mul3A_37, %convert_element_type3A_36 : vector<8192x512xbf16>
    %mul3A_39 = arith.constant 7.070310e-01 : bf16
    %mul3A_40 = vector.broadcast %mul3A_39 : bf16 to vector<8192x512xbf16>
    %mul3A_41 = arith.mulf %convert_element_type3A_36, %mul3A_40 : vector<8192x512xbf16>
    %erf3A = math.erf %mul3A_41 : vector<8192x512xbf16>
    %add3A = arith.constant 1.000000e+00 : bf16
    %add3A_42 = vector.broadcast %add3A : bf16 to vector<8192x512xbf16>
    %add3A_43 = arith.addf %add3A_42, %erf3A : vector<8192x512xbf16>
    %mul3A_44 = arith.mulf %mul3A_38, %add3A_43 : vector<8192x512xbf16>
    %slice3A = vector.extract_strided_slice %mul3A_44 {offsets = [0, 0], sizes = [8192, 256], strides = [1, 1]} : vector<8192x512xbf16> to vector<8192x256xbf16>
    %get3A_45 = arith.constant 0 : index
    %get3A_46 = arith.constant 0 : index
    %get3A_47 = vector.load %arg3[%get3A_45, %get3A_46] : memref<512x80xbf16, #tpu.memory_space<vmem>>, vector<256x80xbf16>
    %dot_general3A_48 = arith.constant dense<0.000000e+00> : vector<8192x80xf32>
    %dot_general3A_49 = tpu.matmul %slice3A, %get3A_47, %dot_general3A_48 {dimension_numbers = #tpu.dot_dimension_numbers<[1], [0], [0], [1], [0, 0, 1, 1], [], []>, transpose_lhs_hint = false} : vector<8192x256xbf16>, vector<256x80xbf16>, vector<8192x80xf32> -> vector<8192x80xf32>
    %slice3A_50 = vector.extract_strided_slice %mul3A_44 {offsets = [0, 256], sizes = [8192, 256], strides = [1, 1]} : vector<8192x512xbf16> to vector<8192x256xbf16>
    %get3A_51 = arith.constant 256 : index
    %get3A_52 = arith.constant 0 : index
    %get3A_53 = vector.load %arg3[%get3A_51, %get3A_52] : memref<512x80xbf16, #tpu.memory_space<vmem>>, vector<256x80xbf16>
    %dot_general3A_54 = arith.constant dense<0.000000e+00> : vector<8192x80xf32>
    %dot_general3A_55 = tpu.matmul %slice3A_50, %get3A_53, %dot_general3A_54 {dimension_numbers = #tpu.dot_dimension_numbers<[1], [0], [0], [1], [0, 0, 1, 1], [], []>, transpose_lhs_hint = false} : vector<8192x256xbf16>, vector<256x80xbf16>, vector<8192x80xf32> -> vector<8192x80xf32>
    %add3A_56 = arith.addf %dot_general3A_49, %dot_general3A_55 : vector<8192x80xf32>
    %get3A_57 = arith.constant 0 : index
    %get3A_58 = arith.constant 0 : index
    %get3A_59 = vector.load %arg4[%get3A_57, %get3A_58] : memref<1x80xf32, #tpu.memory_space<vmem>>, vector<1x80xf32>
    %add3A_60 = vector.broadcast %get3A_59 : vector<1x80xf32> to vector<8192x80xf32>
    %add3A_61 = arith.addf %add3A_56, %add3A_60 : vector<8192x80xf32>
    %swap3A = arith.constant 0 : index
    %swap3A_62 = arith.constant 0 : index
    %swap3A_63 = vector.load %arg5[%swap3A, %swap3A_62] : memref<8192x80xf32, #tpu.memory_space<vmem>>, vector<8192x80xf32>
    tpu.vector_store %arg5[%swap3A, %swap3A_62], %add3A_61 {strides = array<i32>} : memref<8192x80xf32, #tpu.memory_space<vmem>>, vector<8192x80xf32>,
    return
  }
  func.func @transform_0(%arg0: i32) -> (i32, i32, i32) {
    %c0_i32 = arith.constant 0 : i32
    %c0_i32_0 = arith.constant 0 : i32
    %c0_i32_1 = arith.constant 0 : i32
    return %arg0, %c0_i32, %c0_i32_0 : i32, i32, i32
  }
  func.func @transform_1(%arg0: i32) -> (i32, i32) {
    %c0_i32 = arith.constant 0 : i32
    %c0_i32_0 = arith.constant 0 : i32
    %c0_i32_1 = arith.constant 0 : i32
    return %c0_i32, %c0_i32_0 : i32, i32
  }
  func.func @transform_2(%arg0: i32) -> (i32, i32) {
    %c0_i32 = arith.constant 0 : i32
    %c0_i32_0 = arith.constant 0 : i32
    %c0_i32_1 = arith.constant 0 : i32
    return %c0_i32, %c0_i32_0 : i32, i32
  }
  func.func @transform_3(%arg0: i32) -> (i32, i32) {
    %c0_i32 = arith.constant 0 : i32
    %c0_i32_0 = arith.constant 0 : i32
    %c0_i32_1 = arith.constant 0 : i32
    return %c0_i32, %c0_i32_0 : i32, i32
  }
  func.func @transform_4(%arg0: i32) -> (i32, i32) {
    %c0_i32 = arith.constant 0 : i32
    %c0_i32_0 = arith.constant 0 : i32
    return %arg0, %c0_i32 : i32, i32
  }
}

</mosaic_0001>

<sc_bundles>
// kernel: sparse-core-data-format-call.cloned.1.call-start
scs
called_computation_lowered:
.L_overlay_start_0:
0x0: {  	s2 =	sld [smem:$0x3FD9]  }
0x1: {  	s3 =	sld [smem:$0x3FFE];
	_ =	sdelay $0x1  }
0x2: {  	s1 =	srdreg.scid  }
0x3: {  	s0 =	sand.u32 $0x1, s1  }
0x4: {  	s18 =	sshll.u32 s0, $0xA;
	s2 =	sadd.s32 s3, s2  }
0x5: {  	s2 =	sadd.s32 s2, s18  }
0x6: {  	[smem:$0x3FBE] =	sst s2  }
0x7: {  	_ = 	snop  }
0x8: {  	s2 =	sld [smem:$0x3FD0];
	(tm) =	ssettm $0x1  }
0x9: {  	s19 =	sld [smem:$0x3FFB];
	_ =	sdelay $0x3  }
0xa: {  	_ =	strace s19  }
0xb: {  	s3 =	sld [smem:$0x3FFC];
	_ =	sdelay $0x3  }
0xc: {  	_ =	strace s3  }
0xd: {  	s3 =	sld [smem:$0x3FFD];
	_ =	sdelay $0x3  }
0xe: {  	_ =	strace s3  }
0xf: {  	_ =	strace $0x8FFFFFFF  }
0x10: {  	s20 =	sld [smem:$0x3FDB];
	_ =	sdelay $0x1  }
0x11: {  	s4 =	simm.s32 $_scs_section_size  }
0x12: {  	s5 =	simm.s32 $_size__tile_overlayer_lowered;
	s6 =	simm.s32 $_tile_overlayer_lowered  }
0x13: {  	s23 =	simm.s32 $0x1BFF;
	s22 =	sshll.u32 s6, $0x1;
	s3 =	sadd.s32 s4, s20  }
0x14: {  	s7 =	simm.s32 $0x0;
	s21 =	sshll.u32 s5, $0x1;
	s5 =	sadd.s32 s22, s3  }
0x15: {  	[timem:s7], [sflag:s23] =	dma.local [hbm:s5], s21  }
0x16: {  	_ =	swait.ge [sflag:s23], s21  }
0x17: {  	s4 =	ssub.s32 $0x0, s21;
	[sflag:s23] =	ssyncset.done $0x0  }
0x18: {  	[sflag:s23] =	ssyncadd.s32 s4;
	_ =	sdelay $0x1  }
0x19: {  	s24 =	simm.s32 $0x1B8B  }
0x1a: {  	_ =	swait.ge [sflag:s24], $0x1  }
0x1b: {  	[sflag:s24] =	ssyncset.done $0x0  }
0x1c: {  	s26 =	simm.s32 $0x1B8E;
	s25 =	sld [smem:$0x3FFE];
	[sflag:s24] =	ssyncadd.s32 $0xFFFFFFFF  }
0x1d: {  	s27 =	simm.s32 $execute0_lowered;
	[smem:$0x3FD2] =	sst s26  }
0x1e: {  	s5 =	sshll.u32 s27, $0x1;
	_ =	strace $0x80000046;
	[dreg:$0x1] =	wrdreg $0xFFFFFFFF  }
0x1f: {  	s28 =	simm.s32 $_size_execute0_lowered;
	s3 =	sadd.s32 s3, s5;
	[dreg:$0x0] =	wrdreg $0x0  }
0x20: {  	s5 =	sshll.u32 s28, $0x1;
	[dreg:$0x2] =	wrdreg s3  }
0x21: {  	[dreg:$0x3] =	wrdreg s5  }
0x22: {  	[dreg:$0x4] =	wrdreg $0xC0  }
0x23: {  	_ =	task [dreg:s7], $0x5FFFF  }
0x24: {  	[dreg:$0x1] =	wrdreg $0xFFFFFFFF  }
0x25: {  	[dreg:$0x0] =	wrdreg $0x60  }
0x26: {  	[dreg:$0x2] =	wrdreg s25  }
0x27: {  	[dreg:$0x3] =	wrdreg s2  }
0x28: {  	[dreg:$0x4] =	wrdreg $0x9  }
0x29: {  	_ =	task.clear_ibuf [dreg:s7], $0x5FFFF;
	_ =	strace $0x90000046  }
0x2a: {  	s29 =	simm.s32 $0x9;
	_ =	strace $0x80000048  }
0x2b: {  	_ =	swait.ge [sflag:s29], $0x1  }
0x2c: {  	[sflag:s29] =	ssyncadd.s32 $0xFFFFFFFF  }
0x2d: {  	_ =	strace $0x90000048  }
0x2e: {  	_ =	sfence  }
0x2f: {  	s30 =	sld [smem:$0x0];
	_ =	sdelay $0x2  }
0x30: {  	s31 =	sshll.u32 s1, $0xD;
	s1 =	sshrl.u32 s1, $0x2  }
0x31: {  	s3 =	sand.u32 $0x4000, s31;
	s1 =	sadd.s32 s1, s30  }
0x32: {  	s0 =	sor.u32 s3, s0;
	s1 =	sshll.u32 s1, $0x11  }
0x33: {  	s0 =	sor.u32 s1, s0  }
0x34: {  	s0 =	sadd.s32 $0x8F2B, s0  }
0x35: {  	[sflag:s0] =	ssyncadd.remote.s32 $0x1  }
0x36: {  	_ =	sfence.sel $0xFFFF  }
0x37: {  	[dreg:$0x0] =	wrdreg $0xFFFFFFFF;
	(pc) =	sbr.abs _section_cstart, $3  }
0x38: {  	[dreg:$0x1] =	wrdreg $0xFFFFFFFF  }
0x39: {  	_ =	task.clear_ibuf [dreg:s7], $0x2FFFF;
	_ =	strace $0x9FFFFFFF  }
0x3a: {  	(tm) =	ssettm $0x7FFFFFFF  }
0x3b: {  	_ =	shalt  }
tec
execute0_lowered:
.L_overlay_start_1:
0x0: {  	(tag) =	ssettag $0x1  }
0x1: {  	s0 =	srdreg.scid  }
0x2: {  	s1 =	sshll.u32 s0, $0x4  }
0x3: {  	s6 =	rddreg [dreg:$0x0];
	s0 =	stileid.u32;
	s1 =	sand.u32 $0x10, s1  }
0x4: {  	s3 =	rddreg [dreg:$0x1];
	s1 =	sor.u32 s0, s1  }
0x5: {  	s5 =	simm.s32 $0x1;
	s31 =	simm.s32 $0x2;
	s2 =	sshll.u32 s1, $0x7  }
0x6: {  	s15 =	simm.s32 $0x0;
	s8 =	simm.s32 $0x8000;
	s4 =	ssub.s32 $0x1000, s2  }
0x7: {  	s14 =	simm.s32 $0x0;
	s9 =	simm.s32 $0x0;
	s30 =	sand.u32 $0xF80, s4  }
0x8: {  	s10 =	simm.s32 $0x0;
	s11 =	simm.s32 $0x0;
	p0 =	sne.s32 s30, $0x0  }
.Ltmp0:
0x9: {  	s7 =	sshrl.u32 s4, $0xC;
	s5 =	simm.s32 @!p0 $0x0;
	(pc) =	sbr.rel .LBB1_1-.Ltmp0, $4  }
0xa: {  	s13 =	simm.s32 $0x0;
	s1 =	rddreg [dreg:$0x2];
	s5 =	sadd.s32 s5, s7  }
0xb: {  	_ =	strace $0x80000047;
	s4 =	simm.s32 $0x1;
	s5 =	smul.u32 $0xC8, s5  }
0xc: {  	s6 =	sadd.s32 $0x1200, s6;
	s12 =	smov.u32 s2;
	[sflag:s4] =	ssyncpa.u1 $0x0  }
0xd: {  	[sflag:s31] =	ssyncpa.u1 $0x0;
	p0 =	por $0x0, $0x0;
	s7 =	sor.u32 $0x1, s5  }
.LBB1_4:
0xe: {  	s20 =	sshra.s32 s20, $0x2;
	s28 =	sshll.u32 s10, $0x3;
	p1 =	sgt.s32 s9, $0xC7  }
0xf: {  	s21 =	smov.u32 s9;
	s23 =	sshra.s32 s9, $0x1F;
	s24 =	smov.u32 s10  }
0x10: {  	v5 =	vld [tilespmem:s17+$0xFFFFFFD0];
	[tilespmem:s18+$0x2040 ss:$0x81] =	vst.msk $0xffff, v4;
	s25 =	sshra.s32 s10, $0x1F;
	s26 =	sand.u32 $0x78, s10;
	s19 =	sadd.s32 s20, s19  }
0x11: {  	v58 =	vld [tilespmem:s17+$0xFFFFFFE0];
	[tilespmem:s18+$0x2850 ss:$0x81] =	vst.msk $0xffff, v3;
	s22 =	sshrl.u32 s28, $0xC;
	s21 =	simm.s32 @!p1 $0xC7;
	s23 =	sand.u32 s23, s9  }
0x12: {  	v59 =	vld [tilespmem:s17+$0xFFFFFFF0];
	[tilespmem:s18+$0x3060 ss:$0x81] =	vst.msk $0xffff, v2;
	p1 =	sgt.s32 s10, $0xF80;
	s29 =	sand.u32 s25, s10;
	s20 =	sand.u32 $0xC00, s28  }
0x13: {  	v60 =	vld [tilespmem:s17+$0x0];
	[tilespmem:s18+$0x0 ss:$0x81] =	vst.msk $0xffff, v0;
	s28 =	smul.u32 $0xA000, s9;
	s21 =	ssub.s32 s21, s23;
	s24 =	simm.s32 @!p1 $0xF80  }
0x14: {  	v61 =	vld [tilespmem:s17+$0x10];
	s30 =	smulhi.u32 $0x3333334, s22;
	[tilespmem:s19+$0x3870 ss:$0x81] =	vst.msk $0xffff, v1;
	s20 =	sor.u32 s26, s20;
	s31 =	ssub.s32 $0xC8, s21  }
0x15: {  	v62 =	vld [tilespmem:s17+$0x20];
	s23 =	ssub.s32 s24, s29;
	s21 =	sadd.s32 $0xFFFFFF39, s21;
	s25 =	smul.u32 $0x50, s31;
	[tilespmem:s19+$0x810 ss:$0x81] =	vst.msk $0xffff, v5  }
0x16: {  	v63 =	vld [tilespmem:s17+$0xFFFFFFC0];
	s18 =	smul.u32 $0x50, s30;
	p1 =	sgt.s32 s21, $0x0;
	s27 =	sadd.s32 $0xFFFFF080, s23;
	[tilespmem:s19+$0x1020 ss:$0x81] =	vst.msk $0xffff, v58  }
0x17: {  	s17 =	ssub.s32 $0x1000, s23;
	[tilespmem:s19+$0x1830 ss:$0x81] =	vst.msk $0xffff, v59;
	s25 =	simm.s32 @p1 $0x0;
	p1 =	sgt.s32 s27, $0x7F  }
0x18: {  	s29 =	sand.u32 $0x7, s10;
	[tilespmem:s19+$0x2040 ss:$0x81] =	vst.msk $0xffff, v60;
	s18 =	ssub.s32 s22, s18;
	s17 =	simm.s32 @p1 $0x0  }
0x19: {  	s21 =	sadd.s32 s3, s28;
	[tilespmem:s19+$0x2850 ss:$0x81] =	vst.msk $0xffff, v61;
	s18 =	sshll.u32 s18, $0x9;
	s17 =	smul.u32 s17, s25  }
0x1a: {  	s20 =	sshrl.u32 s20, $0x3;
	s30 =	sshll.u32 s29, $0x12;
	[tilespmem:s19+$0x3060 ss:$0x81] =	vst.msk $0xffff, v62;
	s18 =	sadd.s32 s18, s21  }
0x1b: {  	[tilespmem:s19+$0x0 ss:$0x81] =	vst.msk $0xffff, v63;
	s31 =	sor.u32 $0x400, s30;
	s18 =	sadd.s32 s20, s18;
	s17 =	sand.u32 $0x3FFFFFF0, s17  }
0x1c: {  	[hbm4b:s18+s31] =	stream.strided.scatter [tilespmem:s16], [sflag:$0x2], s17, s8, s31, $0x20;
	[tilespmem:$0x10100] =	vst v63  }
.LBB1_5:
0x1d: {  	p1 =	slt.u32 s13, $0x2  }
0x1e: {  	s17 =	smov.u32 s15;
	p2 =	sgt.s32 @!p1 s15, $0xC7;
	s16 =	sshra.s32 @!p1 s15, $0x1F  }
0x1f: {  	p3 =	sgt.s32 @!p1 s14, $0xF80;
	s18 =	sshra.s32 @!p1 s14, $0x1F;
	p2 =	por !p2, p1  }
0x20: {  	s15 =	sand.u32 @!p1 s16, s15;
	p3 =	por !p3, p1;
	s16 =	smov.u32 s14  }
0x21: {  	s14 =	sand.u32 @!p1 s18, s14;
	s17 =	simm.s32 @p2 $0xC7;
	s16 =	simm.s32 @p3 $0xF80  }
0x22: {  	s18 =	smov.u32 s12;
	s15 =	ssub.s32 @!p1 s17, s15;
	s14 =	ssub.s32 @!p1 s16, s14  }
0x23: {  	s16 =	sadd.s32 @!p1 $0xFFFFFF39, s15;
	s15 =	ssub.s32 @!p1 $0xC8, s15;
	s17 =	sadd.s32 @!p1 $0xFFFFF080, s14  }
0x24: {  	p2 =	sgt.s32 @!p1 s16, $0x0;
	s15 =	smul.u32 @!p1 $0x50, s15;
	p3 =	sgt.s32 @!p1 s17, $0x7F  }
0x25: {  	s14 =	ssub.s32 @!p1 $0x1000, s14;
	p2 =	por !p2, p1;
	p3 =	por !p3, p1  }
0x26: {  	s16 =	sadd.s32 $0x1, s11;
	s15 =	simm.s32 @!p2 $0x0;
	s14 =	simm.s32 @!p3 $0x0  }
0x27: {  	p2 =	sgt.s32 s16, $0xC7;
	s14 =	smul.u32 @!p1 s14, s15;
	s15 =	sadd.s32 $0x1000, s12  }
0x28: {  	s18 =	smov.u32 @p2 s15  }
0x29: {  	s16 =	simm.s32 @p2 $0x0;
	p2 =	sgt.s32 s18, $0xFFF  }
0x2a: {  	s18 =	smov.u32 @p2 s2;
	p2 =	sne.s32 s13, s7  }
.Ltmp1:
0x2b: {  	p0 =	por !p0, !p0;
	s17 =	simm.s32 @!p1 $0x2;
	(pc) =	sbr.rel @!p2 .LBB1_6-.Ltmp1, $4  }
0x2c: {  	s15 =	smov.u32 s9;
	s9 =	smov.u32 s11;
	s14 =	sand.u32 @!p1 $0x3FFFFFF0, s14  }
0x2d: {  	s11 =	smov.u32 s16;
	_ =	swait.ge @!p1 [sflag:s17], s14;
	s19 =	ssub.s32 @!p1 $0x0, s14  }
0x2e: {  	s14 =	smov.u32 s10;
	s13 =	sadd.s32 $0x1, s13;
	[sflag:s17] =	ssyncset.done @!p1 $0x0  }
0x2f: {  	s10 =	smov.u32 s12;
	s12 =	smov.u32 s18;
	[sflag:s17] =	ssyncadd.s32 @!p1 s19  }
.LBB1_1:
0x30: {  	p1 =	sge.u32 s13, s5  }
0x31: {  	s16 =	sand.u32 @!p1 $0x1FFFFFF, s11  }
0x32: {  	s17 =	smulhi.u32 @!p1 $0x147AE15, s16;
	_ =	sdelay $0x1  }
0x33: {  	s17 =	smul.u32 @!p1 $0xC8, s17  }
0x34: {  	s18 =	sxor.u32 @!p1 $0xFFFFFFFF, s13;
	s19 =	smul.u32 @!p1 $0xC80, s12  }
0x35: {  	s31 =	sadd.s32 $0xFFFFFFFF, s13;
	s18 =	sshll.u32 @!p1 s18, $0xE;
	s16 =	ssub.s32 @!p1 s16, s17  }
0x36: {  	s17 =	sand.u32 @!p1 $0x4000, s18;
	s18 =	sadd.s32 @!p1 s6, s19;
	s16 =	sshll.u32 @!p1 s16, $0x4  }
0x37: {  	s19 =	simm.s32 @!p1 $0x6400;
	s16 =	sadd.s32 @!p1 s16, s18;
	s18 =	simm.s32 @!p1 $0x80  }
0x38: {  	[tilespmem:s17], [sflag:$0x1] =	stream.strided.gather @!p1 [hbm4b:s16+s18], $0x4000, s19, s18, $0x38;
	[tilespmem:$0x10100] =	vst v63  }
0x39: {  	p1 =	sge.u32 s31, s5  }
.Ltmp2:
0x3a: {  	_ = 	snop;
	(pc) =	sbr.rel @p1 .LBB1_5-.Ltmp2, $1  }
0x3b: {  	_ =	sdelay $0x3  }
0x3c: {  	s16 =	simm.s32 $0x1  }
0x3d: {  	_ =	swait.ge [sflag:s4], $0x4000;
	s16 =	simm.s32 @!p0 $0x0  }
0x3e: {  	[sflag:s4] =	ssyncset.done $0x0;
	s17 =	sshll.u32 s16, $0xE  }
0x3f: {  	[sflag:s4] =	ssyncadd.s32 $0xFFFFC000;
	s17 =	sor.u32 $0x40, s17  }
0x40: {  	s16 =	smul.u32 $0x10200, s16;
	v0 =	vld [tilespmem:s17+$0x30]  }
0x41: {  	v1 =	vld [tilespmem:s17+$0xFFFFFFD0]  }
0x42: {  	s16 =	sshrl.u32 s16, $0x2;
	v5 =	vld [tilespmem:s17+$0xFFFFFFE0]  }
0x43: {  	v6 =	vld [tilespmem:s17+$0xFFFFFFF0];
	s19 =	sor.u32 $0x8000, s16  }
0x44: {  	s31 =	sand.u32 $0x1, s13;
	v4 =	vld [tilespmem:s17+$0x0];
	s18 =	sadd.s32 $0x0, s19  }
0x45: {  	v3 =	vld [tilespmem:s17+$0x10];
	s16 =	smul.u32 $0x10200, s31;
	[tilespmem:s18+$0x3870 ss:$0x81] =	vst.msk $0xffff, v0  }
0x46: {  	v2 =	vld [tilespmem:s17+$0x20];
	[tilespmem:s18+$0x810 ss:$0x81] =	vst.msk $0xffff, v1  }
0x47: {  	s16 =	sshrl.u32 s16, $0x2;
	v0 =	vld [tilespmem:s17+$0xFFFFFFC0];
	[tilespmem:s18+$0x1020 ss:$0x81] =	vst.msk $0xffff, v5;
	s17 =	sadd.s32 $0x80, s17  }
0x48: {  	s20 =	simm.s32 $0x4;
	s21 =	simm.s32 $0x8;
	s16 =	sor.u32 $0x8000, s16;
	[tilespmem:s18+$0x1830 ss:$0x81] =	vst.msk $0xffff, v6;
	v1 =	vld [tilespmem:s17+$0x30]  }
.LBB1_3:
0x49: {  	p1 =	sne.s32 s21, $0x1FC;
	v5 =	vld [tilespmem:s17+$0xFFFFFFD0];
	[tilespmem:s18+$0x2040 ss:$0x81] =	vst.msk $0xffff, v4  }
0x4a: {  	v6 =	vld [tilespmem:s17+$0xFFFFFFE0];
	[tilespmem:s18+$0x2850 ss:$0x81] =	vst.msk $0xffff, v3  }
0x4b: {  	s22 =	sshra.s32 s20, $0x2;
	s20 =	smov.u32 s21;
	v7 =	vld [tilespmem:s17+$0xFFFFFFF0];
	[tilespmem:s18+$0x3060 ss:$0x81] =	vst.msk $0xffff, v2  }
.Ltmp3:
0x4c: {  	v4 =	vld [tilespmem:s17+$0x0];
	[tilespmem:s18+$0x0 ss:$0x81] =	vst.msk $0xffff, v0;
	s18 =	sadd.s32 s22, s19;
	(pc) =	sbr.rel @p1 .LBB1_3-.Ltmp3, $4  }
0x4d: {  	v3 =	vld [tilespmem:s17+$0x10];
	[tilespmem:s18+$0x3870 ss:$0x81] =	vst.msk $0xffff, v1  }
0x4e: {  	[tilespmem:s18+$0x810 ss:$0x81] =	vst.msk $0xffff, v5;
	v2 =	vld [tilespmem:s17+$0x20]  }
0x4f: {  	v0 =	vld [tilespmem:s17+$0xFFFFFFC0];
	[tilespmem:s18+$0x1020 ss:$0x81] =	vst.msk $0xffff, v6;
	s17 =	sadd.s32 $0x80, s17  }
0x50: {  	s21 =	sadd.s32 $0x4, s21;
	v1 =	vld [tilespmem:s17+$0x30];
	[tilespmem:s18+$0x1830 ss:$0x81] =	vst.msk $0xffff, v7  }
.Ltmp4:
0x51: {  	_ = 	snop;
	(pc) =	sbr.rel .LBB1_4-.Ltmp4, $1  }
0x52: {  	_ =	sdelay $0x3  }
.LBB1_6:
0x53: {  	_ =	sfence.sel $0x180000  }
0x54: {  	s2 =	simm.s32 $0x1;
	[bflag:$0x0] =	sbarrier.arrive $0xFFFF  }
0x55: {  	s31 =	simm.s32 $0x2;
	[sflag:s2] =	ssyncpa.u1 $0x1  }
0x56: {  	[sflag:s31] =	ssyncpa.u1 $0x1  }
0x57: {  	p0 =	sne.s32 s0, $0x0;
	_ =	strace $0x90000047  }
0x58: {  	s0 =	sadd.s32 @!p0 $0x100000, s1;
	[bflag:$0x2] =	sbarrier.arrive $0xFFFF  }
0x59: {  	[sflag:s0] =	ssyncadd.tile.s32 @!p0 $0x1;
	_ =	shalt  }
.Lfunc_end1:
_tile_overlayer_lowered:
.L_overlay_start_2:
0x5a: {  	(tag) =	ssettag $0x2  }
0x5b: {  	s0 =	rddreg [dreg:$0x0];
	s2 =	stileid.u32  }
0x5c: {  	s1 =	rddreg [dreg:$0x1];
	p0 =	sne.s32 s2, $0x0  }
0x5d: {  	s3 =	rddreg [dreg:$0x2];
	[bflag:$0x3] =	sbarrier.arrive $0xFFFF;
	s2 =	simm.s32 @!p0 $0x1C01  }
0x5e: {  	[timem:s3], [sflag:s2] =	dma.local @!p0 [hbm:s0], s1  }
0x5f: {  	s0 =	simm.s32 @!p0 $0x1  }
0x60: {  	_ =	swait.ge @!p0 [sflag:s0], s1  }
0x61: {  	s1 =	ssub.s32 @!p0 $0x0, s1;
	[sflag:s0] =	ssyncset.done @!p0 $0x0  }
0x62: {  	[sflag:s0] =	ssyncadd.s32 @!p0 s1  }
0x63: {  	[bflag:$0x3] =	sbarrier.arrive $0xFFFF  }
0x64: {  	_ =	shalt  }

</sc_bundles>
